<compile_context>
chip_gen: v7x
topology: tpu7x:2x2x1
jax: 0.10.2.dev20260603
libtpu: 0.0.44.dev20260713+nightly
codegen_flags: <defaults>
</compile_context>

<pallas_src>
import functools

import jax
import jax.numpy as jnp
from jax import lax
from jax.experimental import pallas as pl
from jax.experimental.pallas import tpu as pltpu
from jax.experimental.pallas import tpu_sc as plsc

_VOCAB = 32000
_ZUNROLL = 10


def kernel(input_ids, token_values, seq_lens):
    T = input_ids.shape[0]
    B = seq_lens.shape[0]
    info = plsc.get_sparse_core_info()
    NC, NS, L = 1, info.num_subcores, info.num_lanes
    NW = NC * NS
    CHUNKS = NW // B
    CW = _VOCAB // CHUNKS

    mesh = plsc.VectorSubcoreMesh(
        core_axis_name="c", subcore_axis_name="s", num_cores=NC)

    @functools.partial(
        pl.kernel,
        mesh=mesh,
        out_type=jax.ShapeDtypeStruct((B * _VOCAB,), jnp.float32),
        compiler_params=pltpu.CompilerParams(needs_layout_passes=False),
        scratch_types=[
            pltpu.VMEM((L,), jnp.int32),
            pltpu.VMEM((L,), jnp.int32),
            pltpu.VMEM((L,), jnp.int32),
            pltpu.VMEM((L,), jnp.float32),
            pltpu.VMEM((CW,), jnp.float32),
            pltpu.SemaphoreType.DMA,
        ],
    )
    def sc_kernel(ids_hbm, vals_hbm, seq_hbm, out_hbm, seq_v, last_v, ids16_v,
                  vals16_v, buf_v, sem):
        wid = lax.axis_index("s") * NC + lax.axis_index("c")
        b = wid // CHUNKS
        chunk = wid % CHUNKS
        cstart = pl.multiple_of(chunk * CW, 8)

        pltpu.sync_copy(seq_hbm, seq_v.at[pl.ds(0, B)])

        lane = lax.iota(jnp.int32, L)
        last_v[...] = jnp.where(lane < B, seq_v[...], 0)
        step = 1
        while step < L:
            shifted = plsc.load_gather(last_v, [jnp.maximum(lane - step, 0)])
            last_v[...] = last_v[...] + jnp.where(lane >= step, shifted, 0)
            step *= 2
        last_v[...] = last_v[...] - 1

        cp1 = pltpu.async_copy(ids_hbm.at[last_v], ids16_v, sem)
        cp2 = pltpu.async_copy(vals_hbm.at[last_v], vals16_v, sem)

        def _zero(i, carry):
            for j in range(_ZUNROLL):
                buf_v[pl.ds((i * _ZUNROLL + j) * L, L)] = jnp.zeros(
                    (L,), jnp.float32)
            return carry

        lax.fori_loop(0, CW // (L * _ZUNROLL), _zero, 0)
        cp1.wait()
        cp2.wait()

        bvec = jnp.broadcast_to(b, (L,))
        ids_b = plsc.load_gather(ids16_v, [bvec])
        vals_b = plsc.load_gather(vals16_v, [bvec])

        cols = lax.rem(ids_b + lane, _VOCAB)
        local = cols - cstart
        valid = (lane < 4) & (local >= 0) & (local < CW)
        coeff = jnp.where(
            lane == 0,
            0.1,
            jnp.where(lane == 1, 0.2, jnp.where(lane == 2, 0.3, 0.4)),
        ).astype(jnp.float32)
        payload = coeff * vals_b
        safe = jnp.where(valid, local, 0)
        plsc.store_scatter(buf_v, [safe], payload, mask=valid)

        out_off = pl.multiple_of(b * _VOCAB + cstart, 8)
        pltpu.sync_copy(buf_v, out_hbm.at[pl.ds(out_off, CW)])

    return sc_kernel(
        input_ids, token_values, seq_lens.astype(jnp.int32)
    ).reshape(B, _VOCAB)

# --- scband reference (transcript-rebuilt; emitter-appended) ---
"""Pipeline reference for scband-dummy-model-52690658787763 (READ-ONLY COPY).

The authoritative reference and input builder live on the scoring server;
editing this copy changes nothing except your own understanding.
"""

import jax, jax.numpy as jnp
import numpy as np

VOCAB = 32000
NUM_TOKENS = 2048
BATCH = 8


def setup_inputs(seed: int = 0) -> dict:
    key = jax.random.key(seed)
    k1, k2 = jax.random.split(key)
    input_ids = jax.random.randint(k1, (NUM_TOKENS,), 0, VOCAB, dtype=jnp.int32)
    # token_values is the float view of input_ids used as scatter payload
    # (matches 0.1*input_ids etc. in the original forward, but differentiable)
    token_values = input_ids.astype(jnp.float32)
    seq_lens = jnp.full((BATCH,), NUM_TOKENS // BATCH, dtype=jnp.int32)
    return {"input_ids": input_ids, "token_values": token_values, "seq_lens": seq_lens}


def reference(input_ids, token_values, seq_lens):
    num_batch_tokens = input_ids.shape[0]
    # last token index of each sequence (cumsum of seq lens - 1)
    last_tokens = jnp.cumsum(seq_lens.astype(jnp.int32)) - 1
    logits = jnp.zeros((num_batch_tokens, VOCAB), dtype=jnp.float32)
    rows = jnp.arange(num_batch_tokens)
    coeffs = (0.1, 0.2, 0.3, 0.4)
    for offset, c in enumerate(coeffs):
        cols = (input_ids + offset) % VOCAB
        logits = logits.at[rows, cols].add(c * token_values)
    # return_context_logits=False path: gather only last tokens
    logits = logits[last_tokens]
    return logits

if __name__ == "__main__":
    import jax
    _d = setup_inputs()
    print(jax.jit(kernel)(*tuple(_d.values())))

</pallas_src>

<mosaic_0001>
#map = affine_map<(d0, d1) -> (0)>
module attributes {stable_mosaic.version = 14 : i64} {
  func.func @sc_kernel(%arg0: i32, %arg1: i32, %arg2: memref<2048xi32, #tpu.memory_space<hbm>>, %arg3: memref<2048xf32, #tpu.memory_space<hbm>>, %arg4: memref<8xi32, #tpu.memory_space<hbm>>, %arg5: memref<256000xf32, #tpu.memory_space<hbm>>, %arg6: memref<16xi32, #tpu.memory_space<vmem>>, %arg7: memref<16xi32, #tpu.memory_space<vmem>>, %arg8: memref<16xi32, #tpu.memory_space<vmem>>, %arg9: memref<16xf32, #tpu.memory_space<vmem>>, %arg10: memref<16000xf32, #tpu.memory_space<vmem>>, %arg11: memref<!tpu.dma_semaphore, #tpu.memory_space<semaphore_mem>>) attributes {dimension_semantics = [#tpu.dimension_semantics<core_parallel>, #tpu.dimension_semantics<subcore_parallel>], iteration_bounds = array<i64: 1, 16>, scalar_prefetch = 0 : i64, scratch_operands = 6 : i64, tpu.core_type = #tpu.core_type<sc_vector_subcore>, window_params = [{transform_indices = #map}, {transform_indices = #map}, {transform_indices = #map}, {transform_indices = #map}]} {
    %mul3A = arith.constant 1 : i32
    %mul3A_0 = arith.muli %arg1, %mul3A : i32
    %add3A = arith.addi %mul3A_0, %arg0 : i32
    %jit3A = arith.constant 2 : i32
    %div3A = arith.divsi %add3A, %jit3A : i32
    %sign3A = arith.constant 0 : i32
    %sign3A_1 = arith.cmpi sgt, %add3A, %sign3A : i32
    %sign3A_2 = arith.extui %sign3A_1 : i1 to i32
    %sign3A_3 = arith.constant 0 : i32
    %sign3A_4 = arith.cmpi slt, %add3A, %sign3A_3 : i32
    %sign3A_5 = arith.extui %sign3A_4 : i1 to i32
    %sign3A_6 = arith.subi %sign3A_2, %sign3A_5 : i32
    %sign3A_7 = arith.constant 0 : i32
    %sign3A_8 = arith.cmpi sgt, %jit3A, %sign3A_7 : i32
    %sign3A_9 = arith.extui %sign3A_8 : i1 to i32
    %sign3A_10 = arith.constant 0 : i32
    %sign3A_11 = arith.cmpi slt, %jit3A, %sign3A_10 : i32
    %sign3A_12 = arith.extui %sign3A_11 : i1 to i32
    %sign3A_13 = arith.subi %sign3A_9, %sign3A_12 : i32
    %ne3A = arith.cmpi ne, %sign3A_6, %sign3A_13 : i32
    %rem3A = arith.remsi %add3A, %jit3A : i32
    %ne3A_14 = arith.constant 0 : i32
    %ne3A_15 = arith.cmpi ne, %rem3A, %ne3A_14 : i32
    %and3A = arith.andi %ne3A, %ne3A_15 : i1
    %sub3A = arith.constant 1 : i32
    %sub3A_16 = arith.subi %div3A, %sub3A : i32
    %select_n3A = arith.select %and3A, %sub3A_16, %div3A : i32
    %jit3A_17 = arith.constant 2 : i32
    %eq3A = arith.constant 0 : i32
    %eq3A_18 = arith.cmpi eq, %jit3A_17, %eq3A : i32
    %jit3A_19 = arith.constant 1 : i32
    %select_n3A_20 = arith.select %eq3A_18, %jit3A_19, %jit3A_17 : i32
    %rem3A_21 = arith.remsi %add3A, %select_n3A_20 : i32
    %ne3A_22 = arith.constant 0 : i32
    %ne3A_23 = arith.cmpi ne, %rem3A_21, %ne3A_22 : i32
    %lt3A = arith.constant 0 : i32
    %lt3A_24 = arith.cmpi slt, %rem3A_21, %lt3A : i32
    %lt3A_25 = arith.constant 0 : i32
    %lt3A_26 = arith.cmpi slt, %select_n3A_20, %lt3A_25 : i32
    %ne3A_27 = arith.xori %lt3A_24, %lt3A_26 : i1
    %and3A_28 = arith.andi %ne3A_27, %ne3A_23 : i1
    %add3A_29 = arith.addi %rem3A_21, %select_n3A_20 : i32
    %select_n3A_30 = arith.select %and3A_28, %add3A_29, %rem3A_21 : i32
    %mul3A_31 = arith.constant 16000 : i32
    %mul3A_32 = arith.muli %select_n3A_30, %mul3A_31 : i32
    %multiple_of3A = tpu.assume_multiple %mul3A_32, 8 : i32
    "tpu.region"() ({
      %run_scoped3A = tpu.sem_alloc : memref<!tpu.dma_semaphore, #tpu.memory_space<semaphore_mem>>
      %dma_start3A_175 = arith.constant 0 : i32
      %dma_start3A_176 = tpu.memref_slice %arg6[%dma_start3A_175] : memref<16xi32, #tpu.memory_space<vmem>> -> memref<8xi32, #tpu.memory_space<vmem>>
      %dma_start3A_177 = arith.constant 0 : i32
      %dma_start3A_178 = tpu.memref_slice %arg6[%dma_start3A_177] : memref<16xi32, #tpu.memory_space<vmem>> -> memref<8xi32, #tpu.memory_space<vmem>>
      tpu.enqueue_dma source(%arg4 : memref<8xi32, #tpu.memory_space<hbm>>) target(%dma_start3A_178 : memref<8xi32, #tpu.memory_space<vmem>>) target_semaphore(%run_scoped3A : memref<!tpu.dma_semaphore, #tpu.memory_space<semaphore_mem>>)
      %dma_wait3A_179 = arith.constant 0 : i32
      %dma_wait3A_180 = tpu.memref_slice %arg6[%dma_wait3A_179] : memref<16xi32, #tpu.memory_space<vmem>> -> memref<8xi32, #tpu.memory_space<vmem>>
      %dma_wait3A_181 = arith.constant 0 : i32
      %dma_wait3A_182 = tpu.memref_slice %arg6[%dma_wait3A_181] : memref<16xi32, #tpu.memory_space<vmem>> -> memref<8xi32, #tpu.memory_space<vmem>>
      tpu.wait_dma2 semaphore(%run_scoped3A : memref<!tpu.dma_semaphore, #tpu.memory_space<semaphore_mem>>) src(%arg4 : memref<8xi32, #tpu.memory_space<hbm>>) dst(%dma_wait3A_182 : memref<8xi32, #tpu.memory_space<vmem>>)
      tpu.yield
    }) : () -> ()
    %iota3A = tpu.iota {dimensions = array<i32: 0>} : vector<16xi32>
    %lt3A_33 = arith.constant 8 : i32
    %lt3A_34 = vector.broadcast %lt3A_33 : i32 to vector<16xi32>
    %lt3A_35 = arith.cmpi slt, %iota3A, %lt3A_34 : vector<16xi32>
    %get3A = arith.constant 0 : index
    %get3A_36 = tpu.vector_load %arg6[%get3A] {strides = array<i32>} : memref<16xi32, #tpu.memory_space<vmem>>, vector<16xi32>,
    %jit3A_37 = arith.constant 0 : i32
    %broadcast_in_dim3A = vector.broadcast %jit3A_37 : i32 to vector<16xi32>
    %select_n3A_38 = arith.select %lt3A_35, %get3A_36, %broadcast_in_dim3A : vector<16xi1>, vector<16xi32>
    %swap3A = arith.constant 0 : index
    %swap3A_39 = tpu.vector_load %arg7[%swap3A] {strides = array<i32>} : memref<16xi32, #tpu.memory_space<vmem>>, vector<16xi32>,
    tpu.vector_store %arg7[%swap3A], %select_n3A_38 {strides = array<i32>} : memref<16xi32, #tpu.memory_space<vmem>>, vector<16xi32>,
    %sub3A_40 = arith.constant 1 : i32
    %sub3A_41 = vector.broadcast %sub3A_40 : i32 to vector<16xi32>
    %sub3A_42 = arith.subi %iota3A, %sub3A_41 : vector<16xi32>
    %max3A = arith.constant 0 : i32
    %max3A_43 = vector.broadcast %max3A : i32 to vector<16xi32>
    %max3A_44 = arith.maxsi %sub3A_42, %max3A_43 : vector<16xi32>
    %gather3A = tpu.vector_load_idx %arg7[%max3A_44] : memref<16xi32, #tpu.memory_space<vmem>>[vector<16xi32>], vector<16xi32>,
    %get3A_45 = arith.constant 0 : index
    %get3A_46 = tpu.vector_load %arg7[%get3A_45] {strides = array<i32>} : memref<16xi32, #tpu.memory_space<vmem>>, vector<16xi32>,
    %ge3A = arith.constant 1 : i32
    %ge3A_47 = vector.broadcast %ge3A : i32 to vector<16xi32>
    %ge3A_48 = arith.cmpi sge, %iota3A, %ge3A_47 : vector<16xi32>
    %jit3A_49 = arith.constant 0 : i32
    %broadcast_in_dim3A_50 = vector.broadcast %jit3A_49 : i32 to vector<16xi32>
    %select_n3A_51 = arith.select %ge3A_48, %gather3A, %broadcast_in_dim3A_50 : vector<16xi1>, vector<16xi32>
    %add3A_52 = arith.addi %get3A_46, %select_n3A_51 : vector<16xi32>
    %swap3A_53 = arith.constant 0 : index
    %swap3A_54 = tpu.vector_load %arg7[%swap3A_53] {strides = array<i32>} : memref<16xi32, #tpu.memory_space<vmem>>, vector<16xi32>,
    tpu.vector_store %arg7[%swap3A_53], %add3A_52 {strides = array<i32>} : memref<16xi32, #tpu.memory_space<vmem>>, vector<16xi32>,
    %sub3A_55 = arith.constant 2 : i32
    %sub3A_56 = vector.broadcast %sub3A_55 : i32 to vector<16xi32>
    %sub3A_57 = arith.subi %iota3A, %sub3A_56 : vector<16xi32>
    %max3A_58 = arith.constant 0 : i32
    %max3A_59 = vector.broadcast %max3A_58 : i32 to vector<16xi32>
    %max3A_60 = arith.maxsi %sub3A_57, %max3A_59 : vector<16xi32>
    %gather3A_61 = tpu.vector_load_idx %arg7[%max3A_60] : memref<16xi32, #tpu.memory_space<vmem>>[vector<16xi32>], vector<16xi32>,
    %get3A_62 = arith.constant 0 : index
    %get3A_63 = tpu.vector_load %arg7[%get3A_62] {strides = array<i32>} : memref<16xi32, #tpu.memory_space<vmem>>, vector<16xi32>,
    %ge3A_64 = arith.constant 2 : i32
    %ge3A_65 = vector.broadcast %ge3A_64 : i32 to vector<16xi32>
    %ge3A_66 = arith.cmpi sge, %iota3A, %ge3A_65 : vector<16xi32>
    %jit3A_67 = arith.constant 0 : i32
    %broadcast_in_dim3A_68 = vector.broadcast %jit3A_67 : i32 to vector<16xi32>
    %select_n3A_69 = arith.select %ge3A_66, %gather3A_61, %broadcast_in_dim3A_68 : vector<16xi1>, vector<16xi32>
    %add3A_70 = arith.addi %get3A_63, %select_n3A_69 : vector<16xi32>
    %swap3A_71 = arith.constant 0 : index
    %swap3A_72 = tpu.vector_load %arg7[%swap3A_71] {strides = array<i32>} : memref<16xi32, #tpu.memory_space<vmem>>, vector<16xi32>,
    tpu.vector_store %arg7[%swap3A_71], %add3A_70 {strides = array<i32>} : memref<16xi32, #tpu.memory_space<vmem>>, vector<16xi32>,
    %sub3A_73 = arith.constant 4 : i32
    %sub3A_74 = vector.broadcast %sub3A_73 : i32 to vector<16xi32>
    %sub3A_75 = arith.subi %iota3A, %sub3A_74 : vector<16xi32>
    %max3A_76 = arith.constant 0 : i32
    %max3A_77 = vector.broadcast %max3A_76 : i32 to vector<16xi32>
    %max3A_78 = arith.maxsi %sub3A_75, %max3A_77 : vector<16xi32>
    %gather3A_79 = tpu.vector_load_idx %arg7[%max3A_78] : memref<16xi32, #tpu.memory_space<vmem>>[vector<16xi32>], vector<16xi32>,
    %get3A_80 = arith.constant 0 : index
    %get3A_81 = tpu.vector_load %arg7[%get3A_80] {strides = array<i32>} : memref<16xi32, #tpu.memory_space<vmem>>, vector<16xi32>,
    %ge3A_82 = arith.constant 4 : i32
    %ge3A_83 = vector.broadcast %ge3A_82 : i32 to vector<16xi32>
    %ge3A_84 = arith.cmpi sge, %iota3A, %ge3A_83 : vector<16xi32>
    %jit3A_85 = arith.constant 0 : i32
    %broadcast_in_dim3A_86 = vector.broadcast %jit3A_85 : i32 to vector<16xi32>
    %select_n3A_87 = arith.select %ge3A_84, %gather3A_79, %broadcast_in_dim3A_86 : vector<16xi1>, vector<16xi32>
    %add3A_88 = arith.addi %get3A_81, %select_n3A_87 : vector<16xi32>
    %swap3A_89 = arith.constant 0 : index
    %swap3A_90 = tpu.vector_load %arg7[%swap3A_89] {strides = array<i32>} : memref<16xi32, #tpu.memory_space<vmem>>, vector<16xi32>,
    tpu.vector_store %arg7[%swap3A_89], %add3A_88 {strides = array<i32>} : memref<16xi32, #tpu.memory_space<vmem>>, vector<16xi32>,
    %sub3A_91 = arith.constant 8 : i32
    %sub3A_92 = vector.broadcast %sub3A_91 : i32 to vector<16xi32>
    %sub3A_93 = arith.subi %iota3A, %sub3A_92 : vector<16xi32>
    %max3A_94 = arith.constant 0 : i32
    %max3A_95 = vector.broadcast %max3A_94 : i32 to vector<16xi32>
    %max3A_96 = arith.maxsi %sub3A_93, %max3A_95 : vector<16xi32>
    %gather3A_97 = tpu.vector_load_idx %arg7[%max3A_96] : memref<16xi32, #tpu.memory_space<vmem>>[vector<16xi32>], vector<16xi32>,
    %get3A_98 = arith.constant 0 : index
    %get3A_99 = tpu.vector_load %arg7[%get3A_98] {strides = array<i32>} : memref<16xi32, #tpu.memory_space<vmem>>, vector<16xi32>,
    %ge3A_100 = arith.constant 8 : i32
    %ge3A_101 = vector.broadcast %ge3A_100 : i32 to vector<16xi32>
    %ge3A_102 = arith.cmpi sge, %iota3A, %ge3A_101 : vector<16xi32>
    %jit3A_103 = arith.constant 0 : i32
    %broadcast_in_dim3A_104 = vector.broadcast %jit3A_103 : i32 to vector<16xi32>
    %select_n3A_105 = arith.select %ge3A_102, %gather3A_97, %broadcast_in_dim3A_104 : vector<16xi1>, vector<16xi32>
    %add3A_106 = arith.addi %get3A_99, %select_n3A_105 : vector<16xi32>
    %swap3A_107 = arith.constant 0 : index
    %swap3A_108 = tpu.vector_load %arg7[%swap3A_107] {strides = array<i32>} : memref<16xi32, #tpu.memory_space<vmem>>, vector<16xi32>,
    tpu.vector_store %arg7[%swap3A_107], %add3A_106 {strides = array<i32>} : memref<16xi32, #tpu.memory_space<vmem>>, vector<16xi32>,
    %get3A_109 = arith.constant 0 : index
    %get3A_110 = tpu.vector_load %arg7[%get3A_109] {strides = array<i32>} : memref<16xi32, #tpu.memory_space<vmem>>, vector<16xi32>,
    %sub3A_111 = arith.constant 1 : i32
    %sub3A_112 = vector.broadcast %sub3A_111 : i32 to vector<16xi32>
    %sub3A_113 = arith.subi %get3A_110, %sub3A_112 : vector<16xi32>
    %swap3A_114 = arith.constant 0 : index
    %swap3A_115 = tpu.vector_load %arg7[%swap3A_114] {strides = array<i32>} : memref<16xi32, #tpu.memory_space<vmem>>, vector<16xi32>,
    tpu.vector_store %arg7[%swap3A_114], %sub3A_113 {strides = array<i32>} : memref<16xi32, #tpu.memory_space<vmem>>, vector<16xi32>,
    %dma_start3A = arith.constant 0 : i32
    %dma_start3A_116 = tpu.memref_slice %arg2[%dma_start3A] : memref<2048xi32, #tpu.memory_space<hbm>> -> memref<2048xi32, #tpu.memory_space<hbm>>
    tpu.enqueue_indirect_dma source(%dma_start3A_116 : memref<2048xi32, #tpu.memory_space<hbm>>) target(%arg8 : memref<16xi32, #tpu.memory_space<vmem>>) offsets(%arg7 : memref<16xi32, #tpu.memory_space<vmem>>) semaphore(%arg11 : memref<!tpu.dma_semaphore, #tpu.memory_space<semaphore_mem>>)
    %dma_start3A_117 = arith.constant 0 : i32
    %dma_start3A_118 = tpu.memref_slice %arg3[%dma_start3A_117] : memref<2048xf32, #tpu.memory_space<hbm>> -> memref<2048xf32, #tpu.memory_space<hbm>>
    tpu.enqueue_indirect_dma source(%dma_start3A_118 : memref<2048xf32, #tpu.memory_space<hbm>>) target(%arg9 : memref<16xf32, #tpu.memory_space<vmem>>) offsets(%arg7 : memref<16xi32, #tpu.memory_space<vmem>>) semaphore(%arg11 : memref<!tpu.dma_semaphore, #tpu.memory_space<semaphore_mem>>)
    %scan3A = arith.constant 0 : i32
    %scan3A_119 = arith.constant 0 : i32
    %scan3A_120 = arith.constant 100 : i32
    %scan3A_121 = arith.addi %scan3A_119, %scan3A_120 : i32
    %scan3A_122 = arith.constant 1 : i32
    scf.for %scan3A_175 = %scan3A_119 to %scan3A_121 step %scan3A_122  : i32 {
      %broadcast_in_dim3A_176 = arith.constant 0.000000e+00 : f32
      %broadcast_in_dim3A_177 = vector.broadcast %broadcast_in_dim3A_176 : f32 to vector<16xf32>
      %mul3A_178 = arith.constant 10 : i32
      %mul3A_179 = arith.muli %scan3A_175, %mul3A_178 : i32
      %add3A_180 = arith.constant 0 : i32
      %add3A_181 = arith.addi %mul3A_179, %add3A_180 : i32
      %mul3A_182 = arith.constant 16 : i32
      %mul3A_183 = arith.muli %add3A_181, %mul3A_182 : i32
      %swap3A_184 = arith.index_cast %mul3A_183 : i32 to index
      %swap3A_185 = tpu.vector_load %arg10[%swap3A_184] {strides = array<i32>} : memref<16000xf32, #tpu.memory_space<vmem>>, vector<16xf32>,
      tpu.vector_store %arg10[%swap3A_184], %broadcast_in_dim3A_177 {strides = array<i32>} : memref<16000xf32, #tpu.memory_space<vmem>>, vector<16xf32>,
      %broadcast_in_dim3A_186 = arith.constant 0.000000e+00 : f32
      %broadcast_in_dim3A_187 = vector.broadcast %broadcast_in_dim3A_186 : f32 to vector<16xf32>
      %mul3A_188 = arith.constant 10 : i32
      %mul3A_189 = arith.muli %scan3A_175, %mul3A_188 : i32
      %add3A_190 = arith.constant 1 : i32
      %add3A_191 = arith.addi %mul3A_189, %add3A_190 : i32
      %mul3A_192 = arith.constant 16 : i32
      %mul3A_193 = arith.muli %add3A_191, %mul3A_192 : i32
      %swap3A_194 = arith.index_cast %mul3A_193 : i32 to index
      %swap3A_195 = tpu.vector_load %arg10[%swap3A_194] {strides = array<i32>} : memref<16000xf32, #tpu.memory_space<vmem>>, vector<16xf32>,
      tpu.vector_store %arg10[%swap3A_194], %broadcast_in_dim3A_187 {strides = array<i32>} : memref<16000xf32, #tpu.memory_space<vmem>>, vector<16xf32>,
      %broadcast_in_dim3A_196 = arith.constant 0.000000e+00 : f32
      %broadcast_in_dim3A_197 = vector.broadcast %broadcast_in_dim3A_196 : f32 to vector<16xf32>
      %mul3A_198 = arith.constant 10 : i32
      %mul3A_199 = arith.muli %scan3A_175, %mul3A_198 : i32
      %add3A_200 = arith.constant 2 : i32
      %add3A_201 = arith.addi %mul3A_199, %add3A_200 : i32
      %mul3A_202 = arith.constant 16 : i32
      %mul3A_203 = arith.muli %add3A_201, %mul3A_202 : i32
      %swap3A_204 = arith.index_cast %mul3A_203 : i32 to index
      %swap3A_205 = tpu.vector_load %arg10[%swap3A_204] {strides = array<i32>} : memref<16000xf32, #tpu.memory_space<vmem>>, vector<16xf32>,
      tpu.vector_store %arg10[%swap3A_204], %broadcast_in_dim3A_197 {strides = array<i32>} : memref<16000xf32, #tpu.memory_space<vmem>>, vector<16xf32>,
      %broadcast_in_dim3A_206 = arith.constant 0.000000e+00 : f32
      %broadcast_in_dim3A_207 = vector.broadcast %broadcast_in_dim3A_206 : f32 to vector<16xf32>
      %mul3A_208 = arith.constant 10 : i32
      %mul3A_209 = arith.muli %scan3A_175, %mul3A_208 : i32
      %add3A_210 = arith.constant 3 : i32
      %add3A_211 = arith.addi %mul3A_209, %add3A_210 : i32
      %mul3A_212 = arith.constant 16 : i32
      %mul3A_213 = arith.muli %add3A_211, %mul3A_212 : i32
      %swap3A_214 = arith.index_cast %mul3A_213 : i32 to index
      %swap3A_215 = tpu.vector_load %arg10[%swap3A_214] {strides = array<i32>} : memref<16000xf32, #tpu.memory_space<vmem>>, vector<16xf32>,
      tpu.vector_store %arg10[%swap3A_214], %broadcast_in_dim3A_207 {strides = array<i32>} : memref<16000xf32, #tpu.memory_space<vmem>>, vector<16xf32>,
      %broadcast_in_dim3A_216 = arith.constant 0.000000e+00 : f32
      %broadcast_in_dim3A_217 = vector.broadcast %broadcast_in_dim3A_216 : f32 to vector<16xf32>
      %mul3A_218 = arith.constant 10 : i32
      %mul3A_219 = arith.muli %scan3A_175, %mul3A_218 : i32
      %add3A_220 = arith.constant 4 : i32
      %add3A_221 = arith.addi %mul3A_219, %add3A_220 : i32
      %mul3A_222 = arith.constant 16 : i32
      %mul3A_223 = arith.muli %add3A_221, %mul3A_222 : i32
      %swap3A_224 = arith.index_cast %mul3A_223 : i32 to index
      %swap3A_225 = tpu.vector_load %arg10[%swap3A_224] {strides = array<i32>} : memref<16000xf32, #tpu.memory_space<vmem>>, vector<16xf32>,
      tpu.vector_store %arg10[%swap3A_224], %broadcast_in_dim3A_217 {strides = array<i32>} : memref<16000xf32, #tpu.memory_space<vmem>>, vector<16xf32>,
      %broadcast_in_dim3A_226 = arith.constant 0.000000e+00 : f32
      %broadcast_in_dim3A_227 = vector.broadcast %broadcast_in_dim3A_226 : f32 to vector<16xf32>
      %mul3A_228 = arith.constant 10 : i32
      %mul3A_229 = arith.muli %scan3A_175, %mul3A_228 : i32
      %add3A_230 = arith.constant 5 : i32
      %add3A_231 = arith.addi %mul3A_229, %add3A_230 : i32
      %mul3A_232 = arith.constant 16 : i32
      %mul3A_233 = arith.muli %add3A_231, %mul3A_232 : i32
      %swap3A_234 = arith.index_cast %mul3A_233 : i32 to index
      %swap3A_235 = tpu.vector_load %arg10[%swap3A_234] {strides = array<i32>} : memref<16000xf32, #tpu.memory_space<vmem>>, vector<16xf32>,
      tpu.vector_store %arg10[%swap3A_234], %broadcast_in_dim3A_227 {strides = array<i32>} : memref<16000xf32, #tpu.memory_space<vmem>>, vector<16xf32>,
      %broadcast_in_dim3A_236 = arith.constant 0.000000e+00 : f32
      %broadcast_in_dim3A_237 = vector.broadcast %broadcast_in_dim3A_236 : f32 to vector<16xf32>
      %mul3A_238 = arith.constant 10 : i32
      %mul3A_239 = arith.muli %scan3A_175, %mul3A_238 : i32
      %add3A_240 = arith.constant 6 : i32
      %add3A_241 = arith.addi %mul3A_239, %add3A_240 : i32
      %mul3A_242 = arith.constant 16 : i32
      %mul3A_243 = arith.muli %add3A_241, %mul3A_242 : i32
      %swap3A_244 = arith.index_cast %mul3A_243 : i32 to index
      %swap3A_245 = tpu.vector_load %arg10[%swap3A_244] {strides = array<i32>} : memref<16000xf32, #tpu.memory_space<vmem>>, vector<16xf32>,
      tpu.vector_store %arg10[%swap3A_244], %broadcast_in_dim3A_237 {strides = array<i32>} : memref<16000xf32, #tpu.memory_space<vmem>>, vector<16xf32>,
      %broadcast_in_dim3A_246 = arith.constant 0.000000e+00 : f32
      %broadcast_in_dim3A_247 = vector.broadcast %broadcast_in_dim3A_246 : f32 to vector<16xf32>
      %mul3A_248 = arith.constant 10 : i32
      %mul3A_249 = arith.muli %scan3A_175, %mul3A_248 : i32
      %add3A_250 = arith.constant 7 : i32
      %add3A_251 = arith.addi %mul3A_249, %add3A_250 : i32
      %mul3A_252 = arith.constant 16 : i32
      %mul3A_253 = arith.muli %add3A_251, %mul3A_252 : i32
      %swap3A_254 = arith.index_cast %mul3A_253 : i32 to index
      %swap3A_255 = tpu.vector_load %arg10[%swap3A_254] {strides = array<i32>} : memref<16000xf32, #tpu.memory_space<vmem>>, vector<16xf32>,
      tpu.vector_store %arg10[%swap3A_254], %broadcast_in_dim3A_247 {strides = array<i32>} : memref<16000xf32, #tpu.memory_space<vmem>>, vector<16xf32>,
      %broadcast_in_dim3A_256 = arith.constant 0.000000e+00 : f32
      %broadcast_in_dim3A_257 = vector.broadcast %broadcast_in_dim3A_256 : f32 to vector<16xf32>
      %mul3A_258 = arith.constant 10 : i32
      %mul3A_259 = arith.muli %scan3A_175, %mul3A_258 : i32
      %add3A_260 = arith.constant 8 : i32
      %add3A_261 = arith.addi %mul3A_259, %add3A_260 : i32
      %mul3A_262 = arith.constant 16 : i32
      %mul3A_263 = arith.muli %add3A_261, %mul3A_262 : i32
      %swap3A_264 = arith.index_cast %mul3A_263 : i32 to index
      %swap3A_265 = tpu.vector_load %arg10[%swap3A_264] {strides = array<i32>} : memref<16000xf32, #tpu.memory_space<vmem>>, vector<16xf32>,
      tpu.vector_store %arg10[%swap3A_264], %broadcast_in_dim3A_257 {strides = array<i32>} : memref<16000xf32, #tpu.memory_space<vmem>>, vector<16xf32>,
      %broadcast_in_dim3A_266 = arith.constant 0.000000e+00 : f32
      %broadcast_in_dim3A_267 = vector.broadcast %broadcast_in_dim3A_266 : f32 to vector<16xf32>
      %mul3A_268 = arith.constant 10 : i32
      %mul3A_269 = arith.muli %scan3A_175, %mul3A_268 : i32
      %add3A_270 = arith.constant 9 : i32
      %add3A_271 = arith.addi %mul3A_269, %add3A_270 : i32
      %mul3A_272 = arith.constant 16 : i32
      %mul3A_273 = arith.muli %add3A_271, %mul3A_272 : i32
      %swap3A_274 = arith.index_cast %mul3A_273 : i32 to index
      %swap3A_275 = tpu.vector_load %arg10[%swap3A_274] {strides = array<i32>} : memref<16000xf32, #tpu.memory_space<vmem>>, vector<16xf32>,
      tpu.vector_store %arg10[%swap3A_274], %broadcast_in_dim3A_267 {strides = array<i32>} : memref<16000xf32, #tpu.memory_space<vmem>>, vector<16xf32>,
    }
    %scan3A_123 = arith.constant 100 : i32
    %dma_wait3A = arith.constant 0 : i32
    %dma_wait3A_124 = tpu.memref_slice %arg2[%dma_wait3A] : memref<2048xi32, #tpu.memory_space<hbm>> -> memref<2048xi32, #tpu.memory_space<hbm>>
    tpu.wait_indirect_dma semaphore(%arg11 : memref<!tpu.dma_semaphore, #tpu.memory_space<semaphore_mem>>) src(%dma_wait3A_124 : memref<2048xi32, #tpu.memory_space<hbm>>) dst(%arg8 : memref<16xi32, #tpu.memory_space<vmem>>)
    %dma_wait3A_125 = arith.constant 0 : i32
    %dma_wait3A_126 = tpu.memref_slice %arg3[%dma_wait3A_125] : memref<2048xf32, #tpu.memory_space<hbm>> -> memref<2048xf32, #tpu.memory_space<hbm>>
    tpu.wait_indirect_dma semaphore(%arg11 : memref<!tpu.dma_semaphore, #tpu.memory_space<semaphore_mem>>) src(%dma_wait3A_126 : memref<2048xf32, #tpu.memory_space<hbm>>) dst(%arg9 : memref<16xf32, #tpu.memory_space<vmem>>)
    %broadcast_in_dim3A_127 = vector.broadcast %select_n3A : i32 to vector<16xi32>
    %gather3A_128 = tpu.vector_load_idx %arg8[%broadcast_in_dim3A_127] : memref<16xi32, #tpu.memory_space<vmem>>[vector<16xi32>], vector<16xi32>,
    %gather3A_129 = tpu.vector_load_idx %arg9[%broadcast_in_dim3A_127] : memref<16xf32, #tpu.memory_space<vmem>>[vector<16xi32>], vector<16xf32>,
    %add3A_130 = arith.addi %gather3A_128, %iota3A : vector<16xi32>
    %rem3A_131 = arith.constant 32000 : i32
    %rem3A_132 = vector.broadcast %rem3A_131 : i32 to vector<16xi32>
    %rem3A_133 = arith.remsi %add3A_130, %rem3A_132 : vector<16xi32>
    %sub3A_134 = vector.broadcast %multiple_of3A : i32 to vector<16xi32>
    %sub3A_135 = arith.subi %rem3A_133, %sub3A_134 : vector<16xi32>
    %lt3A_136 = arith.constant 4 : i32
    %lt3A_137 = vector.broadcast %lt3A_136 : i32 to vector<16xi32>
    %lt3A_138 = arith.cmpi slt, %iota3A, %lt3A_137 : vector<16xi32>
    %ge3A_139 = arith.constant 0 : i32
    %ge3A_140 = vector.broadcast %ge3A_139 : i32 to vector<16xi32>
    %ge3A_141 = arith.cmpi sge, %sub3A_135, %ge3A_140 : vector<16xi32>
    %and3A_142 = arith.andi %lt3A_138, %ge3A_141 : vector<16xi1>
    %lt3A_143 = arith.constant 16000 : i32
    %lt3A_144 = vector.broadcast %lt3A_143 : i32 to vector<16xi32>
    %lt3A_145 = arith.cmpi slt, %sub3A_135, %lt3A_144 : vector<16xi32>
    %and3A_146 = arith.andi %and3A_142, %lt3A_145 : vector<16xi1>
    %eq3A_147 = arith.constant 0 : i32
    %eq3A_148 = vector.broadcast %eq3A_147 : i32 to vector<16xi32>
    %eq3A_149 = arith.cmpi eq, %iota3A, %eq3A_148 : vector<16xi32>
    %eq3A_150 = arith.constant 1 : i32
    %eq3A_151 = vector.broadcast %eq3A_150 : i32 to vector<16xi32>
    %eq3A_152 = arith.cmpi eq, %iota3A, %eq3A_151 : vector<16xi32>
    %eq3A_153 = arith.constant 2 : i32
    %eq3A_154 = vector.broadcast %eq3A_153 : i32 to vector<16xi32>
    %eq3A_155 = arith.cmpi eq, %iota3A, %eq3A_154 : vector<16xi32>
    %jit3A_156 = arith.constant 3.000000e-01 : f32
    %jit3A_157 = arith.constant 4.000000e-01 : f32
    %broadcast_in_dim3A_158 = vector.broadcast %jit3A_156 : f32 to vector<16xf32>
    %broadcast_in_dim3A_159 = vector.broadcast %jit3A_157 : f32 to vector<16xf32>
    %select_n3A_160 = arith.select %eq3A_155, %broadcast_in_dim3A_158, %broadcast_in_dim3A_159 : vector<16xi1>, vector<16xf32>
    %jit3A_161 = arith.constant 2.000000e-01 : f32
    %broadcast_in_dim3A_162 = vector.broadcast %jit3A_161 : f32 to vector<16xf32>
    %select_n3A_163 = arith.select %eq3A_152, %broadcast_in_dim3A_162, %select_n3A_160 : vector<16xi1>, vector<16xf32>
    %jit3A_164 = arith.constant 1.000000e-01 : f32
    %broadcast_in_dim3A_165 = vector.broadcast %jit3A_164 : f32 to vector<16xf32>
    %select_n3A_166 = arith.select %eq3A_149, %broadcast_in_dim3A_165, %select_n3A_163 : vector<16xi1>, vector<16xf32>
    %mul3A_167 = arith.mulf %select_n3A_166, %gather3A_129 : vector<16xf32>
    %jit3A_168 = arith.constant 0 : i32
    %broadcast_in_dim3A_169 = vector.broadcast %jit3A_168 : i32 to vector<16xi32>
    %select_n3A_170 = arith.select %and3A_146, %sub3A_135, %broadcast_in_dim3A_169 : vector<16xi1>, vector<16xi32>
    tpu.vector_store_idx %arg10[%select_n3A_170], %mul3A_167 masked %and3A_146 : memref<16000xf32, #tpu.memory_space<vmem>>[vector<16xi32>], vector<16xf32>, vector<16xi1>
    %mul3A_171 = arith.constant 32000 : i32
    %mul3A_172 = arith.muli %select_n3A, %mul3A_171 : i32
    %add3A_173 = arith.addi %mul3A_172, %multiple_of3A : i32
    %multiple_of3A_174 = tpu.assume_multiple %add3A_173, 8 : i32
    "tpu.region"() ({
      %run_scoped3A = tpu.sem_alloc : memref<!tpu.dma_semaphore, #tpu.memory_space<semaphore_mem>>
      %dma_start3A_175 = tpu.memref_slice %arg5[%multiple_of3A_174] : memref<256000xf32, #tpu.memory_space<hbm>> -> memref<16000xf32, #tpu.memory_space<hbm>>
      %dma_start3A_176 = tpu.memref_slice %arg5[%multiple_of3A_174] : memref<256000xf32, #tpu.memory_space<hbm>> -> memref<16000xf32, #tpu.memory_space<hbm>>
      tpu.enqueue_dma source(%arg10 : memref<16000xf32, #tpu.memory_space<vmem>>) target(%dma_start3A_176 : memref<16000xf32, #tpu.memory_space<hbm>>) target_semaphore(%run_scoped3A : memref<!tpu.dma_semaphore, #tpu.memory_space<semaphore_mem>>)
      %dma_wait3A_177 = tpu.memref_slice %arg5[%multiple_of3A_174] : memref<256000xf32, #tpu.memory_space<hbm>> -> memref<16000xf32, #tpu.memory_space<hbm>>
      %dma_wait3A_178 = tpu.memref_slice %arg5[%multiple_of3A_174] : memref<256000xf32, #tpu.memory_space<hbm>> -> memref<16000xf32, #tpu.memory_space<hbm>>
      tpu.wait_dma2 semaphore(%run_scoped3A : memref<!tpu.dma_semaphore, #tpu.memory_space<semaphore_mem>>) src(%arg10 : memref<16000xf32, #tpu.memory_space<vmem>>) dst(%dma_wait3A_178 : memref<16000xf32, #tpu.memory_space<hbm>>)
      tpu.yield
    }) : () -> ()
    return
  }
}

</mosaic_0001>

<sc_bundles>
// kernel: kernel.3.cloned.1.call-start
scs
__scs_entry_jumppad:
0x0: {  	(pc) =	sbr.rel $0x88, $3  }
0x1: {  	(tag) =	ssettag $0x0;
	lr =	simm.s32 $0x1  }
0x2: {  	[smem:$0x3F9E] =	sst lr;
	_ =	strace $0xD0000000  }
0x3: {  	_ = 	snop  }
0x4: {  	_ = 	snop  }
0x5: {  	_ = 	snop  }
0x6: {  	_ = 	snop  }
0x7: {  	_ = 	snop  }
__scs_overlays_trampoline_lowered:
0x8: {  	[smem:$0x3FAD] =	sst s0  }
0x9: {  	[smem:$0x3FAE] =	sst s1  }
0xa: {  	[smem:$0x3FAF] =	sst s2  }
0xb: {  	[smem:$0x3FB0] =	sst s3  }
0xc: {  	[smem:$0x3FB1] =	sst s4  }
0xd: {  	[smem:$0x3FB2] =	sst s5  }
0xe: {  	[smem:$0x3FB3] =	sst s6  }
0xf: {  	[smem:$0x3FB4] =	sst s7  }
0x10: {  	[smem:$0x3FB5] =	sst s8  }
0x11: {  	[smem:$0x3FB6] =	sst s9;
	s0 =	simm.s32 @!p0 $0x0  }
0x12: {  	s1 =	sld [smem:$0x3F9C];
	s0 =	simm.s32 @p0 $0x1  }
0x13: {  	[smem:$0x3FB7] =	sst s0;
	s0 =	simm.s32 @!p1 $0x0  }
0x14: {  	s2 =	sld [smem:$0x3F9B];
	s0 =	simm.s32 @p1 $0x1  }
0x15: {  	[smem:$0x3FB8] =	sst s0;
	s0 =	simm.s32 @!p2 $0x0  }
0x16: {  	s3 =	sld [smem:$0x3FDB];
	s0 =	simm.s32 @p2 $0x1  }
0x17: {  	s4 =	simm.s32 $0x1BF5;
	[smem:$0x3FBA] =	sst s0  }
0x18: {  	s0 =	sld [smem:$0x3F9D];
	_ =	swait.ge [sflag:s4], $0x0  }
0x19: {  	s7 =	sld [smem:$0x3F9E]  }
0x1a: {  	s8 =	sadd.s32 $0xFFFFE003, lr  }
0x1b: {  	s9 =	sadd.s32 $0xFFFFFEF7, lr;
	s5 =	simm.s32 $0xFFFFFFFF;
	p2 =	slt.u32 s8, $0xFFFFF086  }
0x1c: {  	p1 =	slt.u32 s9, $0xF7A;
	s5 =	simm.s32 @!p2 $0x0  }
0x1d: {  	s5 =	simm.s32 @p1 $0x1;
	p0 =	seq.s32 s7, s2  }
0x1e: {  	s7 =	smul.u32 @!p0 $0xF7A, s2;
	p2 =	seq.s32 @!p0 s5, $0x0  }
0x1f: {  	s9 =	smul.u32 $0xF7A, s1;
	s8 =	simm.s32 @!p0 $0x1BF5;
	p2 =	por !p2, p0  }
0x20: {  	[sflag:s8] =	ssyncset.s32 @!p0 $0xFFFFF086;
	s6 =	sadd.s32 @!p0 s3, s7;
	s7 =	simm.s32 @!p0 $0x108  }
0x21: {  	s3 =	sadd.s32 s3, s9;
	s6 =	sadd.s32 @!p0 $0x88, s6;
	s7 =	simm.s32 @p2 $0x1082  }
0x22: {  	[simem:s7], [sflag:s8] =	dma.local @!p0 [hbm:s6], $0xF7A  }
0x23: {  	s9 =	sor.u32 $0xD0000000, s2;
	s6 =	simm.s32 $0x108;
	_ =	swait.ge @!p0 [sflag:s8], $0x0  }
0x24: {  	s3 =	sadd.s32 $0x88, s3;
	s6 =	simm.s32 @!p1 $0x1082;
	[sflag:s4] =	ssyncset.s32 $0xFFFFF086  }
0x25: {  	[simem:s6], [sflag:s4] =	dma.local [hbm:s3], $0xF7A  }
0x26: {  	[smem:$0x3F9E] =	sst s1;
	(tag) =	ssettag s2;
	_ =	strace s9  }
0x27: {  	s1 =	sld [smem:$0x3FAE]  }
0x28: {  	s2 =	sld [smem:$0x3FAF]  }
0x29: {  	s4 =	sld [smem:$0x3FB1]  }
0x2a: {  	p0 =	seq.s32 s5, $0x0;
	s5 =	sld [smem:$0x3FB2]  }
0x2b: {  	s6 =	sld [smem:$0x3FB3]  }
0x2c: {  	s7 =	sld [smem:$0x3FB4]  }
0x2d: {  	s3 =	simm.s32 $0x108;
	s8 =	sld [smem:$0x3FB5]  }
0x2e: {  	s3 =	simm.s32 @!p0 $0x1082;
	s9 =	sld [smem:$0x3FB6]  }
0x2f: {  	lr =	sadd.s32 s0, s3;
	s0 =	sld [smem:$0x3FAD]  }
0x30: {  	s3 =	sld [smem:$0x3FB0]  }
0x31: {  	[smem:$0x3FB9] =	sst s10  }
0x32: {  	s10 =	sld [smem:$0x3FB7];
	_ =	sdelay $0x3  }
0x33: {  	p0 =	seq.s32 s10, $0x1;
	s10 =	sld [smem:$0x3FB9];
	_ =	sdelay $0x3  }
0x34: {  	[smem:$0x3FB9] =	sst s10  }
0x35: {  	s10 =	sld [smem:$0x3FB8];
	_ =	sdelay $0x3  }
0x36: {  	p1 =	seq.s32 s10, $0x1;
	s10 =	sld [smem:$0x3FB9];
	_ =	sdelay $0x3  }
0x37: {  	[smem:$0x3FB9] =	sst s10  }
0x38: {  	s10 =	sld [smem:$0x3FBA]  }
0x39: {  	_ = 	snop;
	(pc) =	sbr.ind lr, $3  }
0x3a: {  	_ = 	snop  }
0x3b: {  	_ = 	snop  }
0x3c: {  	p2 =	seq.s32 s10, $0x1;
	s10 =	sld [smem:$0x3FB9]  }
0x3d: {  	_ =	shalt  }
0x3e: {  	_ =	shalt  }
0x3f: {  	_ =	shalt  }
0x40: {  	_ =	shalt  }
0x41: {  	_ =	shalt  }
0x42: {  	_ =	shalt  }
0x43: {  	_ =	shalt  }
0x44: {  	_ =	shalt  }
0x45: {  	_ =	shalt  }
0x46: {  	_ =	shalt  }
0x47: {  	_ =	shalt  }
0x48: {  	_ =	shalt  }
0x49: {  	_ =	shalt  }
0x4a: {  	_ =	shalt  }
0x4b: {  	_ =	shalt  }
0x4c: {  	_ =	shalt  }
0x4d: {  	_ =	shalt  }
0x4e: {  	_ =	shalt  }
0x4f: {  	_ =	shalt  }
0x50: {  	_ =	shalt  }
0x51: {  	_ =	shalt  }
0x52: {  	_ =	shalt  }
0x53: {  	_ =	shalt  }
0x54: {  	_ =	shalt  }
0x55: {  	_ =	shalt  }
0x56: {  	_ =	shalt  }
0x57: {  	_ =	shalt  }
0x58: {  	_ =	shalt  }
0x59: {  	_ =	shalt  }
0x5a: {  	_ =	shalt  }
0x5b: {  	_ =	shalt  }
0x5c: {  	_ =	shalt  }
0x5d: {  	_ =	shalt  }
0x5e: {  	_ =	shalt  }
0x5f: {  	_ =	shalt  }
0x60: {  	_ =	shalt  }
0x61: {  	_ =	shalt  }
0x62: {  	_ =	shalt  }
0x63: {  	_ =	shalt  }
0x64: {  	_ =	shalt  }
0x65: {  	_ =	shalt  }
0x66: {  	_ =	shalt  }
0x67: {  	_ =	shalt  }
0x68: {  	_ =	shalt  }
0x69: {  	_ =	shalt  }
0x6a: {  	_ =	shalt  }
0x6b: {  	_ =	shalt  }
0x6c: {  	_ =	shalt  }
0x6d: {  	_ =	shalt  }
0x6e: {  	_ =	shalt  }
0x6f: {  	_ =	shalt  }
0x70: {  	_ =	shalt  }
0x71: {  	_ =	shalt  }
0x72: {  	_ =	shalt  }
0x73: {  	_ =	shalt  }
0x74: {  	_ =	shalt  }
0x75: {  	_ =	shalt  }
0x76: {  	_ =	shalt  }
0x77: {  	_ =	shalt  }
0x78: {  	_ =	shalt  }
0x79: {  	_ =	shalt  }
0x7a: {  	_ =	shalt  }
0x7b: {  	_ =	shalt  }
0x7c: {  	_ =	shalt  }
0x7d: {  	_ =	shalt  }
0x7e: {  	_ =	shalt  }
0x7f: {  	_ =	shalt  }
0x80: {  	_ =	shalt  }
0x81: {  	_ =	shalt  }
0x82: {  	_ =	shalt  }
0x83: {  	_ =	shalt  }
0x84: {  	_ =	shalt  }
0x85: {  	_ =	shalt  }
0x86: {  	_ =	shalt  }
0x87: {  	_ =	shalt  }
.Lfunc_end0:
.L_simem_size_0:
called_computation_lowered:
.L_overlay_start_0:
0x88: {  	s0 =	sld [smem:$0x3FD9]  }
0x89: {  	s1 =	sld [smem:$0x3FFE];
	_ =	sdelay $0x3  }
0x8a: {  	s0 =	sadd.s32 s1, s0  }
0x8b: {  	[smem:$0x3FC5] =	sst s0  }
0x8c: {  	_ = 	snop  }
0x8d: {  	s0 =	sld [smem:$0x3FC9]  }
0x8e: {  	s16 =	sld [smem:$0x3FC8]  }
0x8f: {  	s2 =	sld [smem:$0x3FC7];
	(tm) =	ssettm $0x1  }
0x90: {  	s3 =	sld [smem:$0x3FFB];
	_ =	sdelay $0x3  }
0x91: {  	_ =	strace s3  }
0x92: {  	s3 =	sld [smem:$0x3FFC];
	_ =	sdelay $0x3  }
0x93: {  	_ =	strace s3  }
0x94: {  	s3 =	sld [smem:$0x3FFD];
	_ =	sdelay $0x3  }
0x95: {  	_ =	strace s3  }
0x96: {  	_ =	strace $0x8FFFFFFF  }
0x97: {  	s17 =	sld [smem:$0x3FDB];
	_ =	sdelay $0x1  }
0x98: {  	s4 =	simm.s32 $_scs_section_size  }
0x99: {  	s5 =	simm.s32 $_size__tile_overlayer_lowered;
	s6 =	simm.s32 $_tile_overlayer_lowered  }
0x9a: {  	s20 =	simm.s32 $0x1BFF;
	s19 =	sshll.u32 s6, $0x1;
	s3 =	sadd.s32 s4, s17  }
0x9b: {  	s7 =	simm.s32 $0x0;
	s18 =	sshll.u32 s5, $0x1;
	s5 =	sadd.s32 s19, s3  }
0x9c: {  	[timem:s7], [sflag:s20] =	dma.local [hbm:s5], s18  }
0x9d: {  	_ =	swait.ge [sflag:s20], s18  }
0x9e: {  	s4 =	ssub.s32 $0x0, s18;
	[sflag:s20] =	ssyncset.done $0x0  }
0x9f: {  	[sflag:s20] =	ssyncadd.s32 s4;
	_ =	sdelay $0x1  }
0xa0: {  	s21 =	simm.s32 $0x1B8B  }
0xa1: {  	_ =	swait.ge [sflag:s21], $0x1  }
0xa2: {  	[sflag:s21] =	ssyncset.done $0x0  }
0xa3: {  	s23 =	simm.s32 $0x1B8E;
	s22 =	sld [smem:$0x3FFE];
	[sflag:s21] =	ssyncadd.s32 $0xFFFFFFFF  }
0xa4: {  	s24 =	simm.s32 $execute0_lowered;
	[smem:$0x3FD2] =	sst s23  }
0xa5: {  	s5 =	sshll.u32 s24, $0x1;
	_ =	strace $0x80000046;
	[dreg:$0x1] =	wrdreg $0xFFFFFFFF  }
0xa6: {  	s25 =	simm.s32 $_size_execute0_lowered;
	s3 =	sadd.s32 s3, s5;
	[dreg:$0x0] =	wrdreg $0x0  }
0xa7: {  	s5 =	sshll.u32 s25, $0x1;
	[dreg:$0x2] =	wrdreg s3  }
0xa8: {  	[dreg:$0x3] =	wrdreg s5  }
0xa9: {  	[dreg:$0x4] =	wrdreg $0xC0  }
0xaa: {  	_ =	task [dreg:s7], $0x5FFFF  }
0xab: {  	[dreg:$0x1] =	wrdreg $0xFFFFFFFF  }
0xac: {  	[dreg:$0x0] =	wrdreg $0x60  }
0xad: {  	[dreg:$0x2] =	wrdreg s0  }
0xae: {  	[dreg:$0x3] =	wrdreg s16  }
0xaf: {  	[dreg:$0x4] =	wrdreg s2  }
0xb0: {  	[dreg:$0x5] =	wrdreg s22  }
0xb1: {  	[dreg:$0x6] =	wrdreg $0x9  }
0xb2: {  	_ =	task.clear_ibuf [dreg:s7], $0x7FFFF;
	_ =	strace $0x90000046  }
0xb3: {  	s26 =	simm.s32 $0x9;
	_ =	strace $0x80000048  }
0xb4: {  	_ =	swait.ge [sflag:s26], $0x1  }
0xb5: {  	[sflag:s26] =	ssyncadd.s32 $0xFFFFFFFF  }
0xb6: {  	_ =	strace $0x90000048  }
0xb7: {  	_ =	sfence  }
0xb8: {  	s28 =	sld [smem:$0x0];
	_ =	sdelay $0x1  }
0xb9: {  	s29 =	srdreg.scid  }
0xba: {  	s30 =	sshll.u32 s29, $0xD;
	s31 =	sshrl.u32 s29, $0x2  }
0xbb: {  	s1 =	sand.u32 $0x1, s29;
	s2 =	sand.u32 $0x4000, s30;
	s0 =	sadd.s32 s31, s28  }
0xbc: {  	s1 =	sor.u32 s2, s1;
	s0 =	sshll.u32 s0, $0x11  }
0xbd: {  	s0 =	sor.u32 s0, s1  }
0xbe: {  	s0 =	sadd.s32 $0x8F2B, s0  }
0xbf: {  	[sflag:s0] =	ssyncadd.remote.s32 $0x1  }
0xc0: {  	_ =	sfence.sel $0xFFFF  }
0xc1: {  	[dreg:$0x0] =	wrdreg $0xFFFFFFFF;
	(pc) =	sbr.abs _section_cstart, $3  }
0xc2: {  	[dreg:$0x1] =	wrdreg $0xFFFFFFFF  }
0xc3: {  	_ =	task.clear_ibuf [dreg:s7], $0x2FFFF;
	_ =	strace $0x9FFFFFFF  }
0xc4: {  	(tm) =	ssettm $0x7FFFFFFF  }
0xc5: {  	_ =	shalt  }
tec
execute0_lowered:
.L_overlay_start_1:
0x0: {  	(tag) =	ssettag $0x1  }
0x1: {  	s4 =	rddreg [dreg:$0x0]  }
0x2: {  	s2 =	rddreg [dreg:$0x1]  }
0x3: {  	s5 =	rddreg [dreg:$0x2]  }
0x4: {  	s1 =	rddreg [dreg:$0x3];
	s3 =	simm.s32 $0x0  }
0x5: {  	[smem:$0x7FF] =	sst s3  }
0x6: {  	s0 =	rddreg [dreg:$0x4];
	v0 =	vimm.s32 $0xEDCBA987;
	s29 =	simm.s32 $0x2;
	_ =	strace $0x80000047  }
0x7: {  	v1 =	vimm.s32 $0x65432100;
	v0 =	vunpack.c.l.s4.s8 v0;
	[tilespmem:s3], [sflag:$0x2] =	stream.linear.gather [hbm4b:s5+s3], $0x8, $0x38;
	[tilespmem:$0x4080] =	vst v63  }
0x8: {  	v1 =	vunpack.c.l.s4.s8 v1;
	_ =	swait.ge [sflag:s29], $0x8  }
0x9: {  	v0 =	vunpack.c.0.s8.s32 v0;
	[sflag:s29] =	ssyncset.done $0x0  }
0xa: {  	v1 =	vunpack.c.0.s8.s32 v1;
	[sflag:s29] =	ssyncadd.s32 $0xFFFFFFF8  }
0xb: {  	v0 =	vand.u32 $0xF, v0;
	v2 =	vld [tilespmem:$0x0]  }
0xc: {  	v0 =	vcombine.low v1, v0;
	_ =	sdelay $0x1  }
0xd: {  	v1 =	vimm.s32 $0xDCBA9876  }
0xe: {  	vm0 =	vmmov $0xff;
	v3 =	vimm.s32 $0x54321000;
	v1 =	vunpack.c.l.s4.s8 v1  }
0xf: {  	v3 =	vunpack.c.l.s4.s8 v3;
	v2 =	vnsel vm0, $0x0, v2  }
0x10: {  	s30 =	simm.s32 $0x80;
	v1 =	vunpack.c.0.s8.s32 v1;
	[tilespmem:$0x80] =	vst v2  }
0x11: {  	v3 =	vunpack.c.0.s8.s32 v3;
	v0 =	vld.idx.msk [tilespmem:v0+s30+$0x0], $0xffff  }
0x12: {  	v1 =	vand.u32 $0xF, v1  }
0x13: {  	v1 =	vcombine.low v3, v1  }
0x14: {  	v3 =	vlaneseq.u32  }
0x15: {  	vm1 =	veq.s32 v3, $0x0;
	v3 =	vimm.s32 $0xBA987654  }
0x16: {  	v4 =	vimm.s32 $0x32100000;
	v3 =	vunpack.c.l.s4.s8 v3;
	v0 =	vsel vm1, $0x0, v0  }
0x17: {  	v0 =	vadd.s32 v2, v0;
	v2 =	vunpack.c.l.s4.s8 v4  }
0x18: {  	v3 =	vunpack.c.0.s8.s32 v3;
	[tilespmem:$0x80] =	vst v0  }
0x19: {  	v1 =	vld.idx.msk [tilespmem:v1+s30+$0x0], $0xffff;
	v2 =	vunpack.c.0.s8.s32 v2  }
0x1a: {  	v3 =	vand.u32 $0xF, v3  }
0x1b: {  	v2 =	vcombine.low v2, v3  }
0x1c: {  	v3 =	vimm.s32 $0xE40000  }
0x1d: {  	vm1 =	vmmov $0x3;
	v3 =	vunpack.c.l.s2.s4 v3  }
0x1e: {  	v1 =	vsel vm1, $0x0, v1  }
0x1f: {  	v0 =	vadd.s32 v0, v1;
	v1 =	vunpack.c.l.s4.s8 v3  }
0x20: {  	[tilespmem:$0x80] =	vst v0  }
0x21: {  	v3 =	vimm.s32 $0x7060504;
	v2 =	vld.idx.msk [tilespmem:v2+s30+$0x0], $0xffff;
	v1 =	vunpack.c.0.s8.s32 v1  }
0x22: {  	v3 =	vunpack.c.0.s8.s32 v3  }
0x23: {  	vm1 =	vcmask $0x3F30;
	v1 =	vand.u32 $0x3, v1  }
0x24: {  	v1 =	vsel vm1, v3, v1  }
0x25: {  	vm1 =	vmmov $0xf  }
0x26: {  	v2 =	vsel vm1, $0x0, v2  }
0x27: {  	v0 =	vadd.s32 v0, v2  }
0x28: {  	[tilespmem:$0x80] =	vst v0  }
0x29: {  	v1 =	vld.idx.msk [tilespmem:v1+s30+$0x0], $0xffff;
	_ =	sdelay $0x4  }
0x2a: {  	v1 =	vsel vm0, $0x0, v1  }
0x2b: {  	v0 =	vadd.s32 v1, v0  }
0x2c: {  	v0 =	vadd.s32 $0xFFFFFFFF, v0  }
0x2d: {  	s6 =	simm.s32 $0x10;
	s7 =	simm.s32 $0x100;
	[tilespmem:$0x80] =	vst v0  }
0x2e: {  	[tilespmem:s7], [sflag:$0x1] =	stream.indirect.gather [hbm4b:s4+s6], $0x1, s30, s6, $0xb8;
	[tilespmem:$0x4080] =	vst v63  }
0x2f: {  	s31 =	simm.s32 $0x180;
	s4 =	simm.s32 $0x250  }
0x30: {  	v0 =	vimm.f32 $0.0e+00;
	[tilespmem:s31], [sflag:$0x1] =	stream.indirect.gather [hbm4b:s2+s6], $0x1, s30, s6, $0xb8;
	[tilespmem:$0x4080] =	vst v63  }
0x31: {  	[tilespmem:s4+$0xFFFFFFC0] =	vst v0  }
0x32: {  	[tilespmem:s4+$0xFFFFFFD0] =	vst v0  }
0x33: {  	[tilespmem:s4+$0xFFFFFFE0] =	vst v0  }
0x34: {  	[tilespmem:s4+$0xFFFFFFF0] =	vst v0  }
0x35: {  	[tilespmem:s4+$0x0] =	vst v0  }
0x36: {  	[tilespmem:s4+$0x10] =	vst v0  }
0x37: {  	s5 =	sand.u32 $0x7FE0, s3;
	[tilespmem:s4+$0x20] =	vst v0  }
0x38: {  	s3 =	simm.s32 $0xA0;
	s2 =	sadd.s32 $0x400, s1;
	s1 =	stileid.u32;
	[tilespmem:s4+$0xFFFFFFB0] =	vst v0  }
.LBB2_1:
0x39: {  	p0 =	sne.s32 s3, $0x3DE0;
	[tilespmem:s5+$0x280] =	vst v0  }
0x3a: {  	[tilespmem:s4+$0x40] =	vst v0;
	s4 =	sadd.s32 $0xA0, s4  }
0x3b: {  	[tilespmem:s4+$0xFFFFFFC0] =	vst v0  }
0x3c: {  	[tilespmem:s4+$0xFFFFFFD0] =	vst v0  }
0x3d: {  	[tilespmem:s4+$0xFFFFFFE0] =	vst v0  }
.Ltmp0:
0x3e: {  	[tilespmem:s4+$0xFFFFFFF0] =	vst v0;
	(pc) =	sbr.rel @p0 .LBB2_1-.Ltmp0, $4  }
0x3f: {  	[tilespmem:s4+$0x0] =	vst v0  }
0x40: {  	[tilespmem:s4+$0x10] =	vst v0  }
0x41: {  	[tilespmem:s4+$0x20] =	vst v0  }
0x42: {  	s5 =	sand.u32 $0x7FE0, s3;
	s3 =	sadd.s32 $0xA0, s3;
	[tilespmem:s4+$0xFFFFFFB0] =	vst v0  }
0x43: {  	[tilespmem:s5+$0x280] =	vst v0  }
0x44: {  	s28 =	simm.s32 $0x1;
	[tilespmem:s4+$0x40] =	vst v0  }
0x45: {  	s3 =	sshrl.u32 s1, $0x1;
	_ =	swait.ge [sflag:s28], $0x10  }
0x46: {  	v59 =	vmov s3;
	[sflag:s28] =	ssyncset.done $0x0  }
0x47: {  	[sflag:s28] =	ssyncadd.s32 $0xFFFFFFF0  }
0x48: {  	_ =	swait.ge [sflag:s28], $0x10  }
0x49: {  	[sflag:s28] =	ssyncset.done $0x0  }
0x4a: {  	s29 =	simm.s32 $0x100;
	[sflag:s28] =	ssyncadd.s32 $0xFFFFFFF0  }
0x4b: {  	v1 =	vld.idx.msk [tilespmem:v59+s29+$0x0], $0xffff;
	_ =	sdelay $0x3  }
0x4c: {  	v2 =	vlaneseq.u32  }
0x4d: {  	v1 =	vadd.s32 v2, v1  }
0x4e: {  	(v2sf) =	vpush v1, $0xD;
	_ =	sdelay $0x1  }
0x4f: {  	(v2sf) =	vpush v1, $0xC;
	_ =	sdelay $0x1  }
0x50: {  	(v2sf) =	vpush v1, $0xE;
	_ =	sdelay $0x1  }
0x51: {  	(v2sf) =	vpush v1, $0xF;
	_ =	sdelay $0x1  }
0x52: {  	(v2sf) =	vpush v1, $0x9;
	_ =	sdelay $0x1  }
0x53: {  	(v2sf) =	vpush v1, $0x8;
	_ =	sdelay $0x1  }
0x54: {  	(v2sf) =	vpush v1, $0xA;
	_ =	sdelay $0x1  }
0x55: {  	(v2sf) =	vpush v1, $0xB  }
0x56: {  	s30 =	spop (v2sf)  }
0x57: {  	(v2sf) =	vpush v1, $0x0;
	s31 =	smulhi.u32 $0x10624DD3, s30;
	s4 =	sshra.s32 s30, $0x1F  }
0x58: {  	s6 =	spop (v2sf);
	s4 =	smul.u32 $0x10624DD3, s4  }
0x59: {  	(v2sf) =	vpush v1, $0x1;
	s8 =	smulhi.u32 $0x10624DD3, s6;
	s6 =	sshra.s32 s6, $0x1F  }
0x5a: {  	s7 =	spop (v2sf);
	s10 =	smul.u32 $0x10624DD3, s6  }
0x5b: {  	(v2sf) =	vpush v1, $0x2;
	s11 =	smulhi.u32 $0x10624DD3, s7;
	s7 =	sshra.s32 s7, $0x1F  }
0x5c: {  	s9 =	spop (v2sf);
	s7 =	smul.u32 $0x10624DD3, s7  }
0x5d: {  	(v2sf) =	vpush v1, $0x3;
	s14 =	smulhi.u32 $0x10624DD3, s9;
	s9 =	sshra.s32 s9, $0x1F  }
0x5e: {  	(v2sf) =	vpush v1, $0x4;
	s25 =	spop (v2sf);
	s9 =	smul.u32 $0x10624DD3, s9  }
0x5f: {  	(v2sf) =	vpush v1, $0x5;
	s17 =	smulhi.u32 $0x10624DD3, s25;
	s6 =	sshra.s32 s25, $0x1F  }
0x60: {  	s12 =	spop (v2sf);
	s19 =	smul.u32 $0x10624DD3, s6  }
0x61: {  	(v2sf) =	vpush v1, $0x6;
	s21 =	smulhi.u32 $0x10624DD3, s12;
	s26 =	sshra.s32 s12, $0x1F  }
0x62: {  	(v2sf) =	vpush v1, $0x7;
	s13 =	spop (v2sf);
	s12 =	smul.u32 $0x10624DD3, s26  }
0x63: {  	s24 =	smulhi.u32 $0x10624DD3, s13;
	s28 =	sshra.s32 s13, $0x1F  }
0x64: {  	s15 =	spop (v2sf);
	s26 =	smul.u32 $0x10624DD3, s28  }
0x65: {  	s10 =	sadd.s32 s10, s8;
	s5 =	smulhi.u32 $0x10624DD3, s15;
	s29 =	sshra.s32 s15, $0x1F  }
0x66: {  	s6 =	sadd.s32 s4, s31;
	s16 =	spop (v2sf);
	s15 =	smul.u32 $0x10624DD3, s29  }
0x67: {  	s7 =	sadd.s32 s7, s11;
	s28 =	smulhi.u32 $0x10624DD3, s16;
	s30 =	sshra.s32 s16, $0x1F  }
0x68: {  	s4 =	sadd.s32 s9, s14;
	s18 =	spop (v2sf);
	s14 =	smul.u32 $0x10624DD3, s30  }
0x69: {  	s8 =	sadd.s32 s19, s17;
	s17 =	smulhi.u32 $0x10624DD3, s18;
	s31 =	sshra.s32 s18, $0x1F  }
0x6a: {  	s11 =	sadd.s32 s12, s21;
	s20 =	spop (v2sf);
	s19 =	smul.u32 $0x10624DD3, s31  }
0x6b: {  	s18 =	sshrl.u32 s10, $0x1F;
	s29 =	smulhi.u32 $0x10624DD3, s20;
	s20 =	sshra.s32 s20, $0x1F  }
0x6c: {  	s22 =	spop (v2sf);
	s5 =	sadd.s32 s15, s5;
	s30 =	smul.u32 $0x10624DD3, s20  }
0x6d: {  	s23 =	spop (v2sf);
	s31 =	smulhi.u32 $0x10624DD3, s22;
	s22 =	sshra.s32 s22, $0x1F  }
0x6e: {  	s20 =	sadd.s32 s14, s28;
	s25 =	spop (v2sf);
	s22 =	smul.u32 $0x10624DD3, s22  }
0x6f: {  	s17 =	sadd.s32 s19, s17;
	s19 =	smulhi.u32 $0x10624DD3, s23;
	s23 =	sshra.s32 s23, $0x1F  }
0x70: {  	s15 =	sadd.s32 s30, s29;
	s12 =	smul.u32 $0x10624DD3, s23;
	s13 =	spop (v2sf)  }
0x71: {  	v3 =	vmov s18;
	s18 =	smulhi.u32 $0x10624DD3, s25;
	s14 =	sadd.s32 s22, s31;
	s28 =	spop (v2sf)  }
0x72: {  	vm2 =	vcmask $0xB08;
	vm3 =	vcmask $0x300;
	vm5 =	vcmask $0x1310;
	s22 =	sshra.s32 s25, $0x1F;
	s29 =	smulhi.u32 $0x10624DD3, s28;
	s25 =	sshra.s32 s28, $0x1F  }
0x73: {  	vm6 =	vcmask $0x1B18;
	vm8 =	vcmask $0x2320;
	vm7 =	vcmask $0x2B28;
	s9 =	sadd.s32 s26, s24;
	s26 =	sshrl.u32 s20, $0x1F;
	s25 =	smul.u32 $0x10624DD3, s25  }
0x74: {  	vm4 =	vcmask $0x704;
	v7 =	vimm.s32 $0xECA86420;
	s16 =	sshrl.u32 s6, $0x1F;
	v4 =	vmov s26  }
0x75: {  	vm9 =	vcmask $0xF0C;
	v3 =	vsel vm2, s16, v3;
	v4 =	vnsel vm3, $0x0, v4;
	s31 =	sshrl.u32 s17, $0x1F;
	s16 =	sadd.s32 s12, s19;
	s12 =	sadd.s32 s25, s29  }
0x76: {  	vm10 =	vcmask $0x3330;
	vm14 =	vcmask $0x1714;
	s30 =	sshrl.u32 s11, $0x1F;
	v4 =	vsel vm2, s31, v4;
	s31 =	sshra.s32 s12, $0x1F  }
0x77: {  	vm15 =	vcmask $0x3B38;
	s21 =	sshrl.u32 s7, $0x1F;
	s26 =	sshrl.u32 s8, $0x1F;
	v5 =	vmov s30;
	s25 =	sshra.s32 s20, $0xB;
	v6 =	vmov s31  }
0x78: {  	vm11 =	vcmask $0x1F1C;
	s6 =	sshra.s32 s6, $0xB;
	v5 =	vsel vm2, s26, v5;
	s28 =	sshrl.u32 s9, $0x1F;
	s20 =	sshra.s32 s20, $0x1F;
	v6 =	vsel vm3, s25, v6  }
0x79: {  	vm12 =	vcmask $0x2724;
	s7 =	sshra.s32 s7, $0xB;
	s19 =	sshrl.u32 s15, $0x1F;
	v5 =	vsel vm5, s28, v5;
	s28 =	sshra.s32 s17, $0xB;
	v6 =	vsel vm4, s20, v6  }
0x7a: {  	vm13 =	vcmask $0x2F2C;
	s24 =	sshrl.u32 s4, $0x1F;
	v4 =	vsel vm5, s19, v4;
	s17 =	sshra.s32 s17, $0x1F;
	s29 =	sshrl.u32 s14, $0x1F;
	v6 =	vsel vm2, s28, v6  }
0x7b: {  	v60 =	vunpack.c.l.s4.s8 v7;
	s10 =	sshra.s32 s10, $0xB;
	s23 =	sshrl.u32 s5, $0x1F;
	v4 =	vsel vm6, s29, v4;
	s29 =	sshra.s32 s15, $0xB;
	v6 =	vsel vm9, s17, v6  }
0x7c: {  	v61 =	vmov s10;
	v3 =	vsel vm5, s21, v3;
	s21 =	smul.u32 $0x10624DD3, s22;
	s30 =	sshrl.u32 s16, $0x1F;
	s15 =	sshra.s32 s15, $0x1F;
	v6 =	vsel vm5, s29, v6  }
0x7d: {  	v7 =	vsel vm2, s6, v61;
	s26 =	smulhi.u32 $0x10624DD3, s13;
	s13 =	sshra.s32 s13, $0x1F;
	v4 =	vsel vm8, s30, v4;
	s30 =	sshra.s32 s14, $0xB;
	v6 =	vsel vm14, s15, v6  }
0x7e: {  	v2 =	vmul.u32 $0x2, v2;
	v7 =	vsel vm5, s7, v7;
	s13 =	smul.u32 $0x10624DD3, s13;
	s18 =	sadd.s32 s21, s18;
	s14 =	sshra.s32 s14, $0x1F;
	v6 =	vsel vm6, s30, v6  }
0x7f: {  	s4 =	sshra.s32 s4, $0xB;
	v3 =	vsel vm6, s24, v3;
	s24 =	sshrl.u32 s18, $0x1F;
	v5 =	vsel vm6, s23, v5;
	s31 =	sshra.s32 s16, $0xB;
	v6 =	vsel vm11, s14, v6  }
0x80: {  	v7 =	vsel vm6, s4, v7;
	s13 =	sadd.s32 s13, s26;
	v3 =	vcombine.low v5, v3;
	s15 =	sshra.s32 s16, $0x1F;
	s14 =	sshra.s32 s11, $0xB;
	v6 =	vsel vm8, s31, v6  }
0x81: {  	s19 =	sshrl.u32 s13, $0x1F;
	v4 =	vsel vm7, s24, v4;
	s17 =	sshra.s32 s18, $0xB;
	s16 =	sshra.s32 s8, $0xB;
	v8 =	vmov s14;
	v6 =	vsel vm12, s15, v6  }
0x82: {  	v4 =	vsel vm10, s19, v4;
	s19 =	sshra.s32 s9, $0xB;
	s20 =	sshra.s32 s18, $0x1F;
	v8 =	vsel vm2, s16, v8;
	v6 =	vsel vm7, s17, v6  }
0x83: {  	s21 =	sshra.s32 s5, $0xB;
	v5 =	vunpack.c.0.s8.s32 v60;
	s22 =	sshra.s32 s13, $0xB;
	v8 =	vsel vm5, s19, v8;
	v6 =	vsel vm13, s20, v6  }
0x84: {  	s23 =	sshrl.u32 s12, $0x1F;
	s24 =	sshra.s32 s13, $0x1F;
	vm14 =	vcmask $0x3734;
	v8 =	vsel vm6, s21, v8;
	v6 =	vsel vm10, s22, v6  }
0x85: {  	s25 =	sshra.s32 s12, $0xB;
	v4 =	vsel vm15, s23, v4;
	v7 =	vcombine.low v8, v7;
	v6 =	vsel vm14, s24, v6  }
0x86: {  	v3 =	vperm.xlane v3, v5;
	v4 =	vperm.xlane v4, v2;
	v6 =	vsel vm15, s25, v6  }
0x87: {  	v5 =	vperm.xlane v7, v5;
	v2 =	vperm.xlane v6, v2;
	_ =	sdelay $0x1  }
0x88: {  	v3 =	vsel vm0, v4, v3;
	v2 =	vsel vm0, v2, v5  }
0x89: {  	s26 =	sand.u32 $0x1, s1;
	v2 =	vadd.s32 v3, v2  }
0x8a: {  	s4 =	simm.s32 $0x3E80;
	p0 =	seq.s32 s26, $0x1;
	v2 =	vmul.u32 $0x7D00, v2  }
0x8b: {  	s4 =	simm.s32 @!p0 $0x0  }
0x8c: {  	v62 =	vmov s4;
	v1 =	vsub.s32 v1, v2  }
0x8d: {  	s28 =	simm.s32 $0x180;
	v1 =	vsub.s32 v1, v62  }
0x8e: {  	v0 =	vld.idx.msk [tilespmem:v59+s28+$0x0], $0xffff;
	vm15 =	vlt.u32 v1, $0x3E80  }
0x8f: {  	v63 =	vimm.f32 $4.000000060e-01;
	vm0 =	vmand vm15, vm1  }
0x90: {  	v2 =	vsel vm3, $0x3DCCCCCD, v63;
	v1 =	vnsel vm0, $0x0, v1  }
0x91: {  	s3 =	smul.u32 $0x7D00, s3;
	v2 =	vsel vm4, $0x3E4CCCCD, v2  }
0x92: {  	v2 =	vsel vm2, $0x3E99999A, v2  }
0x93: {  	s3 =	sadd.s32 s4, s3;
	v0 =	vmul.f32 v2, v0  }
0x94: {  	s3 =	sshrl.u32 s3, $0x3;
	s29 =	simm.s32 $0x200  }
0x95: {  	s2 =	sadd.s32 s2, s3;
	s30 =	simm.s32 $0x0;
	s31 =	simm.s32 $0x2;
	[tilespmem:v1+s29+$0x0] =	vst.idx.msk vm0, v0  }
0x96: {  	[hbm4b:s2+s30] =	stream.linear.scatter [tilespmem:s29], [sflag:$0x2], $0x3E80, $0x38;
	[tilespmem:$0x4080] =	vst v63  }
0x97: {  	_ =	swait.ge [sflag:s31], $0x3E80  }
0x98: {  	[sflag:s31] =	ssyncset.done $0x0  }
0x99: {  	[sflag:s31] =	ssyncadd.s32 $0xFFFFC180  }
0x9a: {  	_ =	sfence.sel $0x180000  }
0x9b: {  	[bflag:$0x0] =	sbarrier.arrive $0xFFFF  }
0x9c: {  	p0 =	sne.s32 s1, $0x0;
	_ =	strace $0x90000047  }
0x9d: {  	s0 =	sadd.s32 @!p0 $0x100000, s0;
	[bflag:$0x2] =	sbarrier.arrive $0xFFFF  }
0x9e: {  	[sflag:s0] =	ssyncadd.tile.s32 @!p0 $0x1;
	_ =	shalt  }
.Lfunc_end2:
_tile_overlayer_lowered:
.L_overlay_start_2:
0x9f: {  	(tag) =	ssettag $0x2  }
0xa0: {  	s0 =	rddreg [dreg:$0x0];
	s2 =	stileid.u32  }
0xa1: {  	s1 =	rddreg [dreg:$0x1];
	p0 =	sne.s32 s2, $0x0  }
0xa2: {  	s3 =	rddreg [dreg:$0x2];
	[bflag:$0x3] =	sbarrier.arrive $0xFFFF;
	s2 =	simm.s32 @!p0 $0x1C02  }
0xa3: {  	[timem:s3], [sflag:s2] =	dma.local @!p0 [hbm:s0], s1  }
0xa4: {  	s0 =	simm.s32 @!p0 $0x2  }
0xa5: {  	_ =	swait.ge @!p0 [sflag:s0], s1  }
0xa6: {  	s1 =	ssub.s32 @!p0 $0x0, s1;
	[sflag:s0] =	ssyncset.done @!p0 $0x0  }
0xa7: {  	[sflag:s0] =	ssyncadd.s32 @!p0 s1  }
0xa8: {  	[bflag:$0x3] =	sbarrier.arrive $0xFFFF  }
0xa9: {  	_ =	shalt  }

</sc_bundles>
